<compile_context>
chip_gen: v7x
topology: tpu7x:2x2x1
jax: 0.10.2.dev20260603
libtpu: 0.0.44.dev20260713+nightly
codegen_flags: <defaults>
</compile_context>

<pallas_src>
import functools

import jax
import jax.numpy as jnp
from jax import lax
from jax.experimental import pallas as pl
from jax.experimental.pallas import tpu as pltpu
from jax.experimental.pallas import tpu_sc as plsc

NC = 2
NS = 16
LANES = 16
NW = NC * NS

V = 1000000
B = 4096
H = 200
HALF = 100
D = 64
C = 2
RPW = B // NW
VCHUNK = 20000

_mesh = plsc.VectorSubcoreMesh(
    core_axis_name="c", subcore_axis_name="s", num_cores=NC, num_subcores=NS
)


def _proj_body(w_ref, t_ref, o_ref):
    o_ref[...] = lax.dot_general(
        w_ref[...], t_ref[...], (((1,), (1,)), ((), ())),
        preferred_element_type=jnp.float32,
    )[None]


@functools.partial(
    pl.kernel,
    out_type=jax.ShapeDtypeStruct((B, 2 * LANES), jnp.float32),
    mesh=_mesh,
    scratch_types=[
        pltpu.VMEM((RPW * H,), jnp.int32),
        pltpu.VMEM((RPW * H,), jnp.float32),
        pltpu.VMEM((RPW * H,), jnp.float32),
        pltpu.VMEM((RPW, 2 * LANES), jnp.float32),
        pltpu.SemaphoreType.DMA,
    ],
    compiler_params=pltpu.CompilerParams(use_tc_tiling_on_sc=False),
)
def _sc_pool(x_hbm, pcat_hbm, part_hbm, idx_v, g0_v, g1_v, part_v, sem):
    p0_hbm = pcat_hbm.at[pl.ds(0, V)]
    p1_hbm = pcat_hbm.at[pl.ds(V, V)]
    wid = lax.axis_index("s") * NC + lax.axis_index("c")
    base = wid * RPW
    npw = RPW * H
    pltpu.sync_copy(x_hbm.at[pl.ds(base * H, npw)], idx_v)

    G = 1280
    NGRP = npw // G
    GINFLIGHT = 4

    def fire(k):
        src = idx_v.at[pl.ds(k * G, G)]
        pltpu.async_copy(p0_hbm.at[src], g0_v.at[pl.ds(k * G, G)], sem)
        pltpu.async_copy(p1_hbm.at[src], g1_v.at[pl.ds(k * G, G)], sem)

    def drain_one_group():
        pltpu.make_async_copy(
            p0_hbm.at[idx_v.at[pl.ds(0, G)]], g0_v.at[pl.ds(0, G)], sem
        ).wait()
        pltpu.make_async_copy(
            p1_hbm.at[idx_v.at[pl.ds(0, G)]], g1_v.at[pl.ds(0, G)], sem
        ).wait()

    def gather_body(k, _):
        fire(k)

        @pl.when(k >= GINFLIGHT)
        def _():
            drain_one_group()

        return 0

    lax.fori_loop(0, NGRP, gather_body, 0)
    for _ in range(GINFLIGHT):
        drain_one_group()

    tail_mask = lax.iota(jnp.int32, LANES) >= (LANES - (H % LANES))
    zeros = jnp.zeros((LANES,), jnp.float32)

    def row_sum(g_v, r):
        s = zeros
        for k in range(H // LANES):
            s = s + g_v[pl.ds(r * H + k * LANES, LANES)]
        tail = g_v[pl.ds(r * H + H - LANES, LANES)]
        return s + jnp.where(tail_mask, tail, 0.0)

    def loop_body(r, _):
        part_v[r, pl.ds(0, LANES)] = row_sum(g0_v, r)
        part_v[r, pl.ds(LANES, LANES)] = row_sum(g1_v, r)
        return 0

    lax.fori_loop(0, RPW, loop_body, 0)
    pltpu.sync_copy(part_v, part_hbm.at[pl.ds(base, RPW)])


def _finish_body(p_ref, b_ref, o_ref):
    p = p_ref[...]
    s0 = jnp.sum(p[:, :LANES], axis=1, keepdims=True)
    s1 = jnp.sum(p[:, LANES:], axis=1, keepdims=True)
    o_ref[...] = jnp.concatenate([s0, s1], axis=1) * (1.0 / H) + b_ref[...]


def kernel(x, emb_table, fc_w, fc_b):
    pcat = jnp.einsum("cd,vd->cv", fc_w, emb_table).reshape(C * V)

    part = _sc_pool(x.reshape(B * H), pcat)

    return pl.pallas_call(
        _finish_body,
        out_shape=jax.ShapeDtypeStruct((B, C), jnp.float32),
    )(part, fc_b.reshape(1, C))

# --- scband reference (transcript-rebuilt; emitter-appended) ---
"""Pipeline reference for scband-simple-sentiment-32375463477365 (READ-ONLY COPY).

The authoritative reference and input builder live on the scoring server;
editing this copy changes nothing except your own understanding.
"""

import jax, jax.numpy as jnp
import numpy as np

VOCAB = 1000000
EMBED_DIM = 64
NUM_CLASSES = 2
BATCH = 4096
HIST = 200

def setup_inputs(seed: int = 0) -> dict:
    key = jax.random.key(seed)
    k1, k2, k3, k4 = jax.random.split(key, 4)
    x = jax.random.randint(k1, (BATCH, HIST), 0, VOCAB, dtype=jnp.int64 if jax.config.jax_enable_x64 else jnp.int32).astype(jnp.int32)
    emb_table = jax.random.normal(k2, (VOCAB, EMBED_DIM), dtype=jnp.float32)
    # padding_idx=0: row 0 is zeros
    emb_table = emb_table.at[0].set(0.0)
    fc_w = jax.random.normal(k3, (NUM_CLASSES, EMBED_DIM), dtype=jnp.float32) * (1.0 / np.sqrt(EMBED_DIM))
    fc_b = jax.random.normal(k4, (NUM_CLASSES,), dtype=jnp.float32) * 0.01
    return {"x": x, "emb_table": emb_table, "fc_w": fc_w, "fc_b": fc_b}

def reference(x, emb_table, fc_w, fc_b):
    # embedding lookup (padding_idx=0 row already zeroed in table)
    embedded = jnp.take(emb_table, x, axis=0)          # [B, L, D]
    pooled = jnp.mean(embedded, axis=1)                # [B, D]
    out = pooled @ fc_w.T + fc_b                       # [B, C]
    return out

if __name__ == "__main__":
    import jax
    _d = setup_inputs()
    print(jax.jit(kernel)(*tuple(_d.values())))

</pallas_src>

<mosaic_0001>
#map = affine_map<(d0, d1) -> (0)>
#map1 = affine_map<(d0, d1) -> (0, 0)>
module attributes {stable_mosaic.version = 14 : i64} {
  func.func @_sc_pool(%arg0: i32, %arg1: i32, %arg2: memref<819200xi32, #tpu.memory_space<hbm>>, %arg3: memref<2000000xf32, #tpu.memory_space<hbm>>, %arg4: memref<4096x32xf32, #tpu.memory_space<hbm>>, %arg5: memref<25600xi32, #tpu.memory_space<vmem>>, %arg6: memref<25600xf32, #tpu.memory_space<vmem>>, %arg7: memref<25600xf32, #tpu.memory_space<vmem>>, %arg8: memref<128x32xf32, #tpu.memory_space<vmem>>, %arg9: memref<!tpu.dma_semaphore, #tpu.memory_space<semaphore_mem>>) attributes {dimension_semantics = [#tpu.dimension_semantics<core_parallel>, #tpu.dimension_semantics<subcore_parallel>], iteration_bounds = array<i64: 2, 16>, scalar_prefetch = 0 : i64, scratch_operands = 5 : i64, tpu.core_type = #tpu.core_type<sc_vector_subcore>, window_params = [{transform_indices = #map}, {transform_indices = #map}, {transform_indices = #map1}]} {
    %mul3A = arith.constant 2 : i32
    %mul3A_0 = arith.muli %arg1, %mul3A : i32
    %add3A = arith.addi %mul3A_0, %arg0 : i32
    %mul3A_1 = arith.constant 128 : i32
    %mul3A_2 = arith.muli %add3A, %mul3A_1 : i32
    %mul3A_3 = arith.constant 200 : i32
    %mul3A_4 = arith.muli %mul3A_2, %mul3A_3 : i32
    "tpu.region"() ({
      %run_scoped3A = tpu.sem_alloc : memref<!tpu.dma_semaphore, #tpu.memory_space<semaphore_mem>>
      %dma_start3A = tpu.memref_slice %arg2[%mul3A_4] : memref<819200xi32, #tpu.memory_space<hbm>> -> memref<25600xi32, #tpu.memory_space<hbm>>
      %dma_start3A_84 = tpu.memref_slice %arg2[%mul3A_4] : memref<819200xi32, #tpu.memory_space<hbm>> -> memref<25600xi32, #tpu.memory_space<hbm>>
      tpu.enqueue_dma source(%dma_start3A_84 : memref<25600xi32, #tpu.memory_space<hbm>>) target(%arg5 : memref<25600xi32, #tpu.memory_space<vmem>>) target_semaphore(%run_scoped3A : memref<!tpu.dma_semaphore, #tpu.memory_space<semaphore_mem>>)
      %dma_wait3A_85 = tpu.memref_slice %arg2[%mul3A_4] : memref<819200xi32, #tpu.memory_space<hbm>> -> memref<25600xi32, #tpu.memory_space<hbm>>
      %dma_wait3A_86 = tpu.memref_slice %arg2[%mul3A_4] : memref<819200xi32, #tpu.memory_space<hbm>> -> memref<25600xi32, #tpu.memory_space<hbm>>
      tpu.wait_dma2 semaphore(%run_scoped3A : memref<!tpu.dma_semaphore, #tpu.memory_space<semaphore_mem>>) src(%dma_wait3A_86 : memref<25600xi32, #tpu.memory_space<hbm>>) dst(%arg5 : memref<25600xi32, #tpu.memory_space<vmem>>)
      tpu.yield
    }) : () -> ()
    %scan3A = arith.constant 0 : i32
    %scan3A_5 = arith.constant 0 : i32
    %scan3A_6 = arith.constant 20 : i32
    %scan3A_7 = arith.addi %scan3A_5, %scan3A_6 : i32
    %scan3A_8 = arith.constant 1 : i32
    %scan3A_9 = scf.for %scan3A_84 = %scan3A_5 to %scan3A_7 step %scan3A_8 iter_args(%scan3A_85 = %scan3A) -> (i32)  : i32 {
      %mul3A_86 = arith.constant 1280 : i32
      %mul3A_87 = arith.muli %scan3A_84, %mul3A_86 : i32
      %mul3A_88 = arith.constant 1280 : i32
      %mul3A_89 = arith.muli %scan3A_84, %mul3A_88 : i32
      %dma_start3A = tpu.memref_slice %arg6[%mul3A_89] : memref<25600xf32, #tpu.memory_space<vmem>> -> memref<1280xf32, #tpu.memory_space<vmem>>
      %dma_start3A_90 = tpu.memref_slice %arg5[%mul3A_87] : memref<25600xi32, #tpu.memory_space<vmem>> -> memref<1280xi32, #tpu.memory_space<vmem>>
      %dma_start3A_91 = arith.constant 0 : i32
      %dma_start3A_92 = tpu.memref_slice %arg3[%dma_start3A_91] : memref<2000000xf32, #tpu.memory_space<hbm>> -> memref<1000000xf32, #tpu.memory_space<hbm>>
      %dma_start3A_93 = arith.constant 0 : i32
      %dma_start3A_94 = tpu.memref_slice %dma_start3A_92[%dma_start3A_93] : memref<1000000xf32, #tpu.memory_space<hbm>> -> memref<1000000xf32, #tpu.memory_space<hbm>>
      tpu.enqueue_indirect_dma source(%dma_start3A_94 : memref<1000000xf32, #tpu.memory_space<hbm>>) target(%dma_start3A : memref<1280xf32, #tpu.memory_space<vmem>>) offsets(%dma_start3A_90 : memref<1280xi32, #tpu.memory_space<vmem>>) semaphore(%arg9 : memref<!tpu.dma_semaphore, #tpu.memory_space<semaphore_mem>>)
      %mul3A_95 = arith.constant 1280 : i32
      %mul3A_96 = arith.muli %scan3A_84, %mul3A_95 : i32
      %dma_start3A_97 = tpu.memref_slice %arg7[%mul3A_96] : memref<25600xf32, #tpu.memory_space<vmem>> -> memref<1280xf32, #tpu.memory_space<vmem>>
      %dma_start3A_98 = tpu.memref_slice %arg5[%mul3A_87] : memref<25600xi32, #tpu.memory_space<vmem>> -> memref<1280xi32, #tpu.memory_space<vmem>>
      %dma_start3A_99 = arith.constant 1000000 : i32
      %dma_start3A_100 = tpu.memref_slice %arg3[%dma_start3A_99] : memref<2000000xf32, #tpu.memory_space<hbm>> -> memref<1000000xf32, #tpu.memory_space<hbm>>
      %dma_start3A_101 = arith.constant 0 : i32
      %dma_start3A_102 = tpu.memref_slice %dma_start3A_100[%dma_start3A_101] : memref<1000000xf32, #tpu.memory_space<hbm>> -> memref<1000000xf32, #tpu.memory_space<hbm>>
      tpu.enqueue_indirect_dma source(%dma_start3A_102 : memref<1000000xf32, #tpu.memory_space<hbm>>) target(%dma_start3A_97 : memref<1280xf32, #tpu.memory_space<vmem>>) offsets(%dma_start3A_98 : memref<1280xi32, #tpu.memory_space<vmem>>) semaphore(%arg9 : memref<!tpu.dma_semaphore, #tpu.memory_space<semaphore_mem>>)
      %ge3A_103 = arith.constant 4 : i32
      %ge3A_104 = arith.cmpi sge, %scan3A_84, %ge3A_103 : i32
      %convert_element_type3A = arith.extui %ge3A_104 : i1 to i32
      %cond3A = arith.constant 0 : i32
      %cond3A_105 = arith.cmpi ne, %convert_element_type3A, %cond3A : i32
      scf.if %cond3A_105 {
        %dma_wait3A_107 = arith.constant 0 : i32
        %dma_wait3A_108 = tpu.memref_slice %arg6[%dma_wait3A_107] : memref<25600xf32, #tpu.memory_space<vmem>> -> memref<1280xf32, #tpu.memory_space<vmem>>
        %dma_wait3A_109 = arith.constant 0 : i32
        %dma_wait3A_110 = tpu.memref_slice %arg5[%dma_wait3A_109] : memref<25600xi32, #tpu.memory_space<vmem>> -> memref<1280xi32, #tpu.memory_space<vmem>>
        %dma_wait3A_111 = arith.constant 0 : i32
        %dma_wait3A_112 = tpu.memref_slice %arg3[%dma_wait3A_111] : memref<2000000xf32, #tpu.memory_space<hbm>> -> memref<1000000xf32, #tpu.memory_space<hbm>>
        %dma_wait3A_113 = arith.constant 0 : i32
        %dma_wait3A_114 = tpu.memref_slice %dma_wait3A_112[%dma_wait3A_113] : memref<1000000xf32, #tpu.memory_space<hbm>> -> memref<1000000xf32, #tpu.memory_space<hbm>>
        tpu.wait_indirect_dma semaphore(%arg9 : memref<!tpu.dma_semaphore, #tpu.memory_space<semaphore_mem>>) src(%dma_wait3A_114 : memref<1000000xf32, #tpu.memory_space<hbm>>) dst(%dma_wait3A_108 : memref<1280xf32, #tpu.memory_space<vmem>>)
        %dma_wait3A_115 = arith.constant 0 : i32
        %dma_wait3A_116 = tpu.memref_slice %arg7[%dma_wait3A_115] : memref<25600xf32, #tpu.memory_space<vmem>> -> memref<1280xf32, #tpu.memory_space<vmem>>
        %dma_wait3A_117 = arith.constant 0 : i32
        %dma_wait3A_118 = tpu.memref_slice %arg5[%dma_wait3A_117] : memref<25600xi32, #tpu.memory_space<vmem>> -> memref<1280xi32, #tpu.memory_space<vmem>>
        %dma_wait3A_119 = arith.constant 1000000 : i32
        %dma_wait3A_120 = tpu.memref_slice %arg3[%dma_wait3A_119] : memref<2000000xf32, #tpu.memory_space<hbm>> -> memref<1000000xf32, #tpu.memory_space<hbm>>
        %dma_wait3A_121 = arith.constant 0 : i32
        %dma_wait3A_122 = tpu.memref_slice %dma_wait3A_120[%dma_wait3A_121] : memref<1000000xf32, #tpu.memory_space<hbm>> -> memref<1000000xf32, #tpu.memory_space<hbm>>
        tpu.wait_indirect_dma semaphore(%arg9 : memref<!tpu.dma_semaphore, #tpu.memory_space<semaphore_mem>>) src(%dma_wait3A_122 : memref<1000000xf32, #tpu.memory_space<hbm>>) dst(%dma_wait3A_116 : memref<1280xf32, #tpu.memory_space<vmem>>)
      } else {
      }
      %scan3A_106 = arith.constant 0 : i32
      scf.yield %scan3A_106 : i32
    }
    %scan3A_10 = arith.constant 20 : i32
    %dma_wait3A = arith.constant 0 : i32
    %dma_wait3A_11 = tpu.memref_slice %arg6[%dma_wait3A] : memref<25600xf32, #tpu.memory_space<vmem>> -> memref<1280xf32, #tpu.memory_space<vmem>>
    %dma_wait3A_12 = arith.constant 0 : i32
    %dma_wait3A_13 = tpu.memref_slice %arg5[%dma_wait3A_12] : memref<25600xi32, #tpu.memory_space<vmem>> -> memref<1280xi32, #tpu.memory_space<vmem>>
    %dma_wait3A_14 = arith.constant 0 : i32
    %dma_wait3A_15 = tpu.memref_slice %arg3[%dma_wait3A_14] : memref<2000000xf32, #tpu.memory_space<hbm>> -> memref<1000000xf32, #tpu.memory_space<hbm>>
    %dma_wait3A_16 = arith.constant 0 : i32
    %dma_wait3A_17 = tpu.memref_slice %dma_wait3A_15[%dma_wait3A_16] : memref<1000000xf32, #tpu.memory_space<hbm>> -> memref<1000000xf32, #tpu.memory_space<hbm>>
    tpu.wait_indirect_dma semaphore(%arg9 : memref<!tpu.dma_semaphore, #tpu.memory_space<semaphore_mem>>) src(%dma_wait3A_17 : memref<1000000xf32, #tpu.memory_space<hbm>>) dst(%dma_wait3A_11 : memref<1280xf32, #tpu.memory_space<vmem>>)
    %dma_wait3A_18 = arith.constant 0 : i32
    %dma_wait3A_19 = tpu.memref_slice %arg7[%dma_wait3A_18] : memref<25600xf32, #tpu.memory_space<vmem>> -> memref<1280xf32, #tpu.memory_space<vmem>>
    %dma_wait3A_20 = arith.constant 0 : i32
    %dma_wait3A_21 = tpu.memref_slice %arg5[%dma_wait3A_20] : memref<25600xi32, #tpu.memory_space<vmem>> -> memref<1280xi32, #tpu.memory_space<vmem>>
    %dma_wait3A_22 = arith.constant 1000000 : i32
    %dma_wait3A_23 = tpu.memref_slice %arg3[%dma_wait3A_22] : memref<2000000xf32, #tpu.memory_space<hbm>> -> memref<1000000xf32, #tpu.memory_space<hbm>>
    %dma_wait3A_24 = arith.constant 0 : i32
    %dma_wait3A_25 = tpu.memref_slice %dma_wait3A_23[%dma_wait3A_24] : memref<1000000xf32, #tpu.memory_space<hbm>> -> memref<1000000xf32, #tpu.memory_space<hbm>>
    tpu.wait_indirect_dma semaphore(%arg9 : memref<!tpu.dma_semaphore, #tpu.memory_space<semaphore_mem>>) src(%dma_wait3A_25 : memref<1000000xf32, #tpu.memory_space<hbm>>) dst(%dma_wait3A_19 : memref<1280xf32, #tpu.memory_space<vmem>>)
    %dma_wait3A_26 = arith.constant 0 : i32
    %dma_wait3A_27 = tpu.memref_slice %arg6[%dma_wait3A_26] : memref<25600xf32, #tpu.memory_space<vmem>> -> memref<1280xf32, #tpu.memory_space<vmem>>
    %dma_wait3A_28 = arith.constant 0 : i32
    %dma_wait3A_29 = tpu.memref_slice %arg5[%dma_wait3A_28] : memref<25600xi32, #tpu.memory_space<vmem>> -> memref<1280xi32, #tpu.memory_space<vmem>>
    %dma_wait3A_30 = arith.constant 0 : i32
    %dma_wait3A_31 = tpu.memref_slice %arg3[%dma_wait3A_30] : memref<2000000xf32, #tpu.memory_space<hbm>> -> memref<1000000xf32, #tpu.memory_space<hbm>>
    %dma_wait3A_32 = arith.constant 0 : i32
    %dma_wait3A_33 = tpu.memref_slice %dma_wait3A_31[%dma_wait3A_32] : memref<1000000xf32, #tpu.memory_space<hbm>> -> memref<1000000xf32, #tpu.memory_space<hbm>>
    tpu.wait_indirect_dma semaphore(%arg9 : memref<!tpu.dma_semaphore, #tpu.memory_space<semaphore_mem>>) src(%dma_wait3A_33 : memref<1000000xf32, #tpu.memory_space<hbm>>) dst(%dma_wait3A_27 : memref<1280xf32, #tpu.memory_space<vmem>>)
    %dma_wait3A_34 = arith.constant 0 : i32
    %dma_wait3A_35 = tpu.memref_slice %arg7[%dma_wait3A_34] : memref<25600xf32, #tpu.memory_space<vmem>> -> memref<1280xf32, #tpu.memory_space<vmem>>
    %dma_wait3A_36 = arith.constant 0 : i32
    %dma_wait3A_37 = tpu.memref_slice %arg5[%dma_wait3A_36] : memref<25600xi32, #tpu.memory_space<vmem>> -> memref<1280xi32, #tpu.memory_space<vmem>>
    %dma_wait3A_38 = arith.constant 1000000 : i32
    %dma_wait3A_39 = tpu.memref_slice %arg3[%dma_wait3A_38] : memref<2000000xf32, #tpu.memory_space<hbm>> -> memref<1000000xf32, #tpu.memory_space<hbm>>
    %dma_wait3A_40 = arith.constant 0 : i32
    %dma_wait3A_41 = tpu.memref_slice %dma_wait3A_39[%dma_wait3A_40] : memref<1000000xf32, #tpu.memory_space<hbm>> -> memref<1000000xf32, #tpu.memory_space<hbm>>
    tpu.wait_indirect_dma semaphore(%arg9 : memref<!tpu.dma_semaphore, #tpu.memory_space<semaphore_mem>>) src(%dma_wait3A_41 : memref<1000000xf32, #tpu.memory_space<hbm>>) dst(%dma_wait3A_35 : memref<1280xf32, #tpu.memory_space<vmem>>)
    %dma_wait3A_42 = arith.constant 0 : i32
    %dma_wait3A_43 = tpu.memref_slice %arg6[%dma_wait3A_42] : memref<25600xf32, #tpu.memory_space<vmem>> -> memref<1280xf32, #tpu.memory_space<vmem>>
    %dma_wait3A_44 = arith.constant 0 : i32
    %dma_wait3A_45 = tpu.memref_slice %arg5[%dma_wait3A_44] : memref<25600xi32, #tpu.memory_space<vmem>> -> memref<1280xi32, #tpu.memory_space<vmem>>
    %dma_wait3A_46 = arith.constant 0 : i32
    %dma_wait3A_47 = tpu.memref_slice %arg3[%dma_wait3A_46] : memref<2000000xf32, #tpu.memory_space<hbm>> -> memref<1000000xf32, #tpu.memory_space<hbm>>
    %dma_wait3A_48 = arith.constant 0 : i32
    %dma_wait3A_49 = tpu.memref_slice %dma_wait3A_47[%dma_wait3A_48] : memref<1000000xf32, #tpu.memory_space<hbm>> -> memref<1000000xf32, #tpu.memory_space<hbm>>
    tpu.wait_indirect_dma semaphore(%arg9 : memref<!tpu.dma_semaphore, #tpu.memory_space<semaphore_mem>>) src(%dma_wait3A_49 : memref<1000000xf32, #tpu.memory_space<hbm>>) dst(%dma_wait3A_43 : memref<1280xf32, #tpu.memory_space<vmem>>)
    %dma_wait3A_50 = arith.constant 0 : i32
    %dma_wait3A_51 = tpu.memref_slice %arg7[%dma_wait3A_50] : memref<25600xf32, #tpu.memory_space<vmem>> -> memref<1280xf32, #tpu.memory_space<vmem>>
    %dma_wait3A_52 = arith.constant 0 : i32
    %dma_wait3A_53 = tpu.memref_slice %arg5[%dma_wait3A_52] : memref<25600xi32, #tpu.memory_space<vmem>> -> memref<1280xi32, #tpu.memory_space<vmem>>
    %dma_wait3A_54 = arith.constant 1000000 : i32
    %dma_wait3A_55 = tpu.memref_slice %arg3[%dma_wait3A_54] : memref<2000000xf32, #tpu.memory_space<hbm>> -> memref<1000000xf32, #tpu.memory_space<hbm>>
    %dma_wait3A_56 = arith.constant 0 : i32
    %dma_wait3A_57 = tpu.memref_slice %dma_wait3A_55[%dma_wait3A_56] : memref<1000000xf32, #tpu.memory_space<hbm>> -> memref<1000000xf32, #tpu.memory_space<hbm>>
    tpu.wait_indirect_dma semaphore(%arg9 : memref<!tpu.dma_semaphore, #tpu.memory_space<semaphore_mem>>) src(%dma_wait3A_57 : memref<1000000xf32, #tpu.memory_space<hbm>>) dst(%dma_wait3A_51 : memref<1280xf32, #tpu.memory_space<vmem>>)
    %dma_wait3A_58 = arith.constant 0 : i32
    %dma_wait3A_59 = tpu.memref_slice %arg6[%dma_wait3A_58] : memref<25600xf32, #tpu.memory_space<vmem>> -> memref<1280xf32, #tpu.memory_space<vmem>>
    %dma_wait3A_60 = arith.constant 0 : i32
    %dma_wait3A_61 = tpu.memref_slice %arg5[%dma_wait3A_60] : memref<25600xi32, #tpu.memory_space<vmem>> -> memref<1280xi32, #tpu.memory_space<vmem>>
    %dma_wait3A_62 = arith.constant 0 : i32
    %dma_wait3A_63 = tpu.memref_slice %arg3[%dma_wait3A_62] : memref<2000000xf32, #tpu.memory_space<hbm>> -> memref<1000000xf32, #tpu.memory_space<hbm>>
    %dma_wait3A_64 = arith.constant 0 : i32
    %dma_wait3A_65 = tpu.memref_slice %dma_wait3A_63[%dma_wait3A_64] : memref<1000000xf32, #tpu.memory_space<hbm>> -> memref<1000000xf32, #tpu.memory_space<hbm>>
    tpu.wait_indirect_dma semaphore(%arg9 : memref<!tpu.dma_semaphore, #tpu.memory_space<semaphore_mem>>) src(%dma_wait3A_65 : memref<1000000xf32, #tpu.memory_space<hbm>>) dst(%dma_wait3A_59 : memref<1280xf32, #tpu.memory_space<vmem>>)
    %dma_wait3A_66 = arith.constant 0 : i32
    %dma_wait3A_67 = tpu.memref_slice %arg7[%dma_wait3A_66] : memref<25600xf32, #tpu.memory_space<vmem>> -> memref<1280xf32, #tpu.memory_space<vmem>>
    %dma_wait3A_68 = arith.constant 0 : i32
    %dma_wait3A_69 = tpu.memref_slice %arg5[%dma_wait3A_68] : memref<25600xi32, #tpu.memory_space<vmem>> -> memref<1280xi32, #tpu.memory_space<vmem>>
    %dma_wait3A_70 = arith.constant 1000000 : i32
    %dma_wait3A_71 = tpu.memref_slice %arg3[%dma_wait3A_70] : memref<2000000xf32, #tpu.memory_space<hbm>> -> memref<1000000xf32, #tpu.memory_space<hbm>>
    %dma_wait3A_72 = arith.constant 0 : i32
    %dma_wait3A_73 = tpu.memref_slice %dma_wait3A_71[%dma_wait3A_72] : memref<1000000xf32, #tpu.memory_space<hbm>> -> memref<1000000xf32, #tpu.memory_space<hbm>>
    tpu.wait_indirect_dma semaphore(%arg9 : memref<!tpu.dma_semaphore, #tpu.memory_space<semaphore_mem>>) src(%dma_wait3A_73 : memref<1000000xf32, #tpu.memory_space<hbm>>) dst(%dma_wait3A_67 : memref<1280xf32, #tpu.memory_space<vmem>>)
    %iota3A = tpu.iota {dimensions = array<i32: 0>} : vector<16xi32>
    %ge3A = arith.constant 8 : i32
    %ge3A_74 = vector.broadcast %ge3A : i32 to vector<16xi32>
    %ge3A_75 = arith.cmpi sge, %iota3A, %ge3A_74 : vector<16xi32>
    %broadcast_in_dim3A = arith.constant 0.000000e+00 : f32
    %broadcast_in_dim3A_76 = vector.broadcast %broadcast_in_dim3A : f32 to vector<16xf32>
    %scan3A_77 = arith.constant 0 : i32
    %scan3A_78 = arith.constant 0 : i32
    %scan3A_79 = arith.constant 128 : i32
    %scan3A_80 = arith.addi %scan3A_78, %scan3A_79 : i32
    %scan3A_81 = arith.constant 1 : i32
    %scan3A_82 = scf.for %scan3A_84 = %scan3A_78 to %scan3A_80 step %scan3A_81 iter_args(%scan3A_85 = %scan3A_77) -> (i32)  : i32 {
      %mul3A_86 = arith.constant 200 : i32
      %mul3A_87 = arith.muli %scan3A_84, %mul3A_86 : i32
      %add3A_88 = arith.constant 0 : i32
      %add3A_89 = arith.addi %mul3A_87, %add3A_88 : i32
      %get3A = arith.index_cast %add3A_89 : i32 to index
      %get3A_90 = tpu.vector_load %arg6[%get3A] {strides = array<i32>} : memref<25600xf32, #tpu.memory_space<vmem>>, vector<16xf32>,
      %get3A_91 = vector.shape_cast %get3A_90 : vector<16xf32> to vector<16xf32>
      %add3A_92 = arith.addf %broadcast_in_dim3A_76, %get3A_91 : vector<16xf32>
      %mul3A_93 = arith.constant 200 : i32
      %mul3A_94 = arith.muli %scan3A_84, %mul3A_93 : i32
      %add3A_95 = arith.constant 16 : i32
      %add3A_96 = arith.addi %mul3A_94, %add3A_95 : i32
      %get3A_97 = arith.index_cast %add3A_96 : i32 to index
      %get3A_98 = tpu.vector_load %arg6[%get3A_97] {strides = array<i32>} : memref<25600xf32, #tpu.memory_space<vmem>>, vector<16xf32>,
      %get3A_99 = vector.shape_cast %get3A_98 : vector<16xf32> to vector<16xf32>
      %add3A_100 = arith.addf %add3A_92, %get3A_99 : vector<16xf32>
      %mul3A_101 = arith.constant 200 : i32
      %mul3A_102 = arith.muli %scan3A_84, %mul3A_101 : i32
      %add3A_103 = arith.constant 32 : i32
      %add3A_104 = arith.addi %mul3A_102, %add3A_103 : i32
      %get3A_105 = arith.index_cast %add3A_104 : i32 to index
      %get3A_106 = tpu.vector_load %arg6[%get3A_105] {strides = array<i32>} : memref<25600xf32, #tpu.memory_space<vmem>>, vector<16xf32>,
      %get3A_107 = vector.shape_cast %get3A_106 : vector<16xf32> to vector<16xf32>
      %add3A_108 = arith.addf %add3A_100, %get3A_107 : vector<16xf32>
      %mul3A_109 = arith.constant 200 : i32
      %mul3A_110 = arith.muli %scan3A_84, %mul3A_109 : i32
      %add3A_111 = arith.constant 48 : i32
      %add3A_112 = arith.addi %mul3A_110, %add3A_111 : i32
      %get3A_113 = arith.index_cast %add3A_112 : i32 to index
      %get3A_114 = tpu.vector_load %arg6[%get3A_113] {strides = array<i32>} : memref<25600xf32, #tpu.memory_space<vmem>>, vector<16xf32>,
      %get3A_115 = vector.shape_cast %get3A_114 : vector<16xf32> to vector<16xf32>
      %add3A_116 = arith.addf %add3A_108, %get3A_115 : vector<16xf32>
      %mul3A_117 = arith.constant 200 : i32
      %mul3A_118 = arith.muli %scan3A_84, %mul3A_117 : i32
      %add3A_119 = arith.constant 64 : i32
      %add3A_120 = arith.addi %mul3A_118, %add3A_119 : i32
      %get3A_121 = arith.index_cast %add3A_120 : i32 to index
      %get3A_122 = tpu.vector_load %arg6[%get3A_121] {strides = array<i32>} : memref<25600xf32, #tpu.memory_space<vmem>>, vector<16xf32>,
      %get3A_123 = vector.shape_cast %get3A_122 : vector<16xf32> to vector<16xf32>
      %add3A_124 = arith.addf %add3A_116, %get3A_123 : vector<16xf32>
      %mul3A_125 = arith.constant 200 : i32
      %mul3A_126 = arith.muli %scan3A_84, %mul3A_125 : i32
      %add3A_127 = arith.constant 80 : i32
      %add3A_128 = arith.addi %mul3A_126, %add3A_127 : i32
      %get3A_129 = arith.index_cast %add3A_128 : i32 to index
      %get3A_130 = tpu.vector_load %arg6[%get3A_129] {strides = array<i32>} : memref<25600xf32, #tpu.memory_space<vmem>>, vector<16xf32>,
      %get3A_131 = vector.shape_cast %get3A_130 : vector<16xf32> to vector<16xf32>
      %add3A_132 = arith.addf %add3A_124, %get3A_131 : vector<16xf32>
      %mul3A_133 = arith.constant 200 : i32
      %mul3A_134 = arith.muli %scan3A_84, %mul3A_133 : i32
      %add3A_135 = arith.constant 96 : i32
      %add3A_136 = arith.addi %mul3A_134, %add3A_135 : i32
      %get3A_137 = arith.index_cast %add3A_136 : i32 to index
      %get3A_138 = tpu.vector_load %arg6[%get3A_137] {strides = array<i32>} : memref<25600xf32, #tpu.memory_space<vmem>>, vector<16xf32>,
      %get3A_139 = vector.shape_cast %get3A_138 : vector<16xf32> to vector<16xf32>
      %add3A_140 = arith.addf %add3A_132, %get3A_139 : vector<16xf32>
      %mul3A_141 = arith.constant 200 : i32
      %mul3A_142 = arith.muli %scan3A_84, %mul3A_141 : i32
      %add3A_143 = arith.constant 112 : i32
      %add3A_144 = arith.addi %mul3A_142, %add3A_143 : i32
      %get3A_145 = arith.index_cast %add3A_144 : i32 to index
      %get3A_146 = tpu.vector_load %arg6[%get3A_145] {strides = array<i32>} : memref<25600xf32, #tpu.memory_space<vmem>>, vector<16xf32>,
      %get3A_147 = vector.shape_cast %get3A_146 : vector<16xf32> to vector<16xf32>
      %add3A_148 = arith.addf %add3A_140, %get3A_147 : vector<16xf32>
      %mul3A_149 = arith.constant 200 : i32
      %mul3A_150 = arith.muli %scan3A_84, %mul3A_149 : i32
      %add3A_151 = arith.constant 128 : i32
      %add3A_152 = arith.addi %mul3A_150, %add3A_151 : i32
      %get3A_153 = arith.index_cast %add3A_152 : i32 to index
      %get3A_154 = tpu.vector_load %arg6[%get3A_153] {strides = array<i32>} : memref<25600xf32, #tpu.memory_space<vmem>>, vector<16xf32>,
      %get3A_155 = vector.shape_cast %get3A_154 : vector<16xf32> to vector<16xf32>
      %add3A_156 = arith.addf %add3A_148, %get3A_155 : vector<16xf32>
      %mul3A_157 = arith.constant 200 : i32
      %mul3A_158 = arith.muli %scan3A_84, %mul3A_157 : i32
      %add3A_159 = arith.constant 144 : i32
      %add3A_160 = arith.addi %mul3A_158, %add3A_159 : i32
      %get3A_161 = arith.index_cast %add3A_160 : i32 to index
      %get3A_162 = tpu.vector_load %arg6[%get3A_161] {strides = array<i32>} : memref<25600xf32, #tpu.memory_space<vmem>>, vector<16xf32>,
      %get3A_163 = vector.shape_cast %get3A_162 : vector<16xf32> to vector<16xf32>
      %add3A_164 = arith.addf %add3A_156, %get3A_163 : vector<16xf32>
      %mul3A_165 = arith.constant 200 : i32
      %mul3A_166 = arith.muli %scan3A_84, %mul3A_165 : i32
      %add3A_167 = arith.constant 160 : i32
      %add3A_168 = arith.addi %mul3A_166, %add3A_167 : i32
      %get3A_169 = arith.index_cast %add3A_168 : i32 to index
      %get3A_170 = tpu.vector_load %arg6[%get3A_169] {strides = array<i32>} : memref<25600xf32, #tpu.memory_space<vmem>>, vector<16xf32>,
      %get3A_171 = vector.shape_cast %get3A_170 : vector<16xf32> to vector<16xf32>
      %add3A_172 = arith.addf %add3A_164, %get3A_171 : vector<16xf32>
      %mul3A_173 = arith.constant 200 : i32
      %mul3A_174 = arith.muli %scan3A_84, %mul3A_173 : i32
      %add3A_175 = arith.constant 176 : i32
      %add3A_176 = arith.addi %mul3A_174, %add3A_175 : i32
      %get3A_177 = arith.index_cast %add3A_176 : i32 to index
      %get3A_178 = tpu.vector_load %arg6[%get3A_177] {strides = array<i32>} : memref<25600xf32, #tpu.memory_space<vmem>>, vector<16xf32>,
      %get3A_179 = vector.shape_cast %get3A_178 : vector<16xf32> to vector<16xf32>
      %add3A_180 = arith.addf %add3A_172, %get3A_179 : vector<16xf32>
      %mul3A_181 = arith.constant 200 : i32
      %mul3A_182 = arith.muli %scan3A_84, %mul3A_181 : i32
      %add3A_183 = arith.constant 200 : i32
      %add3A_184 = arith.addi %mul3A_182, %add3A_183 : i32
      %sub3A = arith.constant 16 : i32
      %sub3A_185 = arith.subi %add3A_184, %sub3A : i32
      %get3A_186 = arith.index_cast %sub3A_185 : i32 to index
      %get3A_187 = tpu.vector_load %arg6[%get3A_186] {strides = array<i32>} : memref<25600xf32, #tpu.memory_space<vmem>>, vector<16xf32>,
      %get3A_188 = vector.shape_cast %get3A_187 : vector<16xf32> to vector<16xf32>
      %jit3A = arith.constant 0.000000e+00 : f32
      %broadcast_in_dim3A_189 = vector.broadcast %jit3A : f32 to vector<16xf32>
      %select_n3A = arith.select %ge3A_75, %get3A_188, %broadcast_in_dim3A_189 : vector<16xi1>, vector<16xf32>
      %add3A_190 = arith.addf %add3A_180, %select_n3A : vector<16xf32>
      %swap3A = arith.index_cast %scan3A_84 : i32 to index
      %swap3A_191 = arith.constant 0 : index
      %swap3A_192 = tpu.vector_load %arg8[%swap3A, %swap3A_191] {strides = array<i32>} : memref<128x32xf32, #tpu.memory_space<vmem>>, vector<1x16xf32>,
      %swap3A_193 = vector.shape_cast %swap3A_192 : vector<1x16xf32> to vector<16xf32>
      %swap3A_194 = vector.shape_cast %add3A_190 : vector<16xf32> to vector<1x16xf32>
      tpu.vector_store %arg8[%swap3A, %swap3A_191], %swap3A_194 {strides = array<i32>} : memref<128x32xf32, #tpu.memory_space<vmem>>, vector<1x16xf32>,
      %mul3A_195 = arith.constant 200 : i32
      %mul3A_196 = arith.muli %scan3A_84, %mul3A_195 : i32
      %add3A_197 = arith.constant 0 : i32
      %add3A_198 = arith.addi %mul3A_196, %add3A_197 : i32
      %get3A_199 = arith.index_cast %add3A_198 : i32 to index
      %get3A_200 = tpu.vector_load %arg7[%get3A_199] {strides = array<i32>} : memref<25600xf32, #tpu.memory_space<vmem>>, vector<16xf32>,
      %get3A_201 = vector.shape_cast %get3A_200 : vector<16xf32> to vector<16xf32>
      %add3A_202 = arith.addf %broadcast_in_dim3A_76, %get3A_201 : vector<16xf32>
      %mul3A_203 = arith.constant 200 : i32
      %mul3A_204 = arith.muli %scan3A_84, %mul3A_203 : i32
      %add3A_205 = arith.constant 16 : i32
      %add3A_206 = arith.addi %mul3A_204, %add3A_205 : i32
      %get3A_207 = arith.index_cast %add3A_206 : i32 to index
      %get3A_208 = tpu.vector_load %arg7[%get3A_207] {strides = array<i32>} : memref<25600xf32, #tpu.memory_space<vmem>>, vector<16xf32>,
      %get3A_209 = vector.shape_cast %get3A_208 : vector<16xf32> to vector<16xf32>
      %add3A_210 = arith.addf %add3A_202, %get3A_209 : vector<16xf32>
      %mul3A_211 = arith.constant 200 : i32
      %mul3A_212 = arith.muli %scan3A_84, %mul3A_211 : i32
      %add3A_213 = arith.constant 32 : i32
      %add3A_214 = arith.addi %mul3A_212, %add3A_213 : i32
      %get3A_215 = arith.index_cast %add3A_214 : i32 to index
      %get3A_216 = tpu.vector_load %arg7[%get3A_215] {strides = array<i32>} : memref<25600xf32, #tpu.memory_space<vmem>>, vector<16xf32>,
      %get3A_217 = vector.shape_cast %get3A_216 : vector<16xf32> to vector<16xf32>
      %add3A_218 = arith.addf %add3A_210, %get3A_217 : vector<16xf32>
      %mul3A_219 = arith.constant 200 : i32
      %mul3A_220 = arith.muli %scan3A_84, %mul3A_219 : i32
      %add3A_221 = arith.constant 48 : i32
      %add3A_222 = arith.addi %mul3A_220, %add3A_221 : i32
      %get3A_223 = arith.index_cast %add3A_222 : i32 to index
      %get3A_224 = tpu.vector_load %arg7[%get3A_223] {strides = array<i32>} : memref<25600xf32, #tpu.memory_space<vmem>>, vector<16xf32>,
      %get3A_225 = vector.shape_cast %get3A_224 : vector<16xf32> to vector<16xf32>
      %add3A_226 = arith.addf %add3A_218, %get3A_225 : vector<16xf32>
      %mul3A_227 = arith.constant 200 : i32
      %mul3A_228 = arith.muli %scan3A_84, %mul3A_227 : i32
      %add3A_229 = arith.constant 64 : i32
      %add3A_230 = arith.addi %mul3A_228, %add3A_229 : i32
      %get3A_231 = arith.index_cast %add3A_230 : i32 to index
      %get3A_232 = tpu.vector_load %arg7[%get3A_231] {strides = array<i32>} : memref<25600xf32, #tpu.memory_space<vmem>>, vector<16xf32>,
      %get3A_233 = vector.shape_cast %get3A_232 : vector<16xf32> to vector<16xf32>
      %add3A_234 = arith.addf %add3A_226, %get3A_233 : vector<16xf32>
      %mul3A_235 = arith.constant 200 : i32
      %mul3A_236 = arith.muli %scan3A_84, %mul3A_235 : i32
      %add3A_237 = arith.constant 80 : i32
      %add3A_238 = arith.addi %mul3A_236, %add3A_237 : i32
      %get3A_239 = arith.index_cast %add3A_238 : i32 to index
      %get3A_240 = tpu.vector_load %arg7[%get3A_239] {strides = array<i32>} : memref<25600xf32, #tpu.memory_space<vmem>>, vector<16xf32>,
      %get3A_241 = vector.shape_cast %get3A_240 : vector<16xf32> to vector<16xf32>
      %add3A_242 = arith.addf %add3A_234, %get3A_241 : vector<16xf32>
      %mul3A_243 = arith.constant 200 : i32
      %mul3A_244 = arith.muli %scan3A_84, %mul3A_243 : i32
      %add3A_245 = arith.constant 96 : i32
      %add3A_246 = arith.addi %mul3A_244, %add3A_245 : i32
      %get3A_247 = arith.index_cast %add3A_246 : i32 to index
      %get3A_248 = tpu.vector_load %arg7[%get3A_247] {strides = array<i32>} : memref<25600xf32, #tpu.memory_space<vmem>>, vector<16xf32>,
      %get3A_249 = vector.shape_cast %get3A_248 : vector<16xf32> to vector<16xf32>
      %add3A_250 = arith.addf %add3A_242, %get3A_249 : vector<16xf32>
      %mul3A_251 = arith.constant 200 : i32
      %mul3A_252 = arith.muli %scan3A_84, %mul3A_251 : i32
      %add3A_253 = arith.constant 112 : i32
      %add3A_254 = arith.addi %mul3A_252, %add3A_253 : i32
      %get3A_255 = arith.index_cast %add3A_254 : i32 to index
      %get3A_256 = tpu.vector_load %arg7[%get3A_255] {strides = array<i32>} : memref<25600xf32, #tpu.memory_space<vmem>>, vector<16xf32>,
      %get3A_257 = vector.shape_cast %get3A_256 : vector<16xf32> to vector<16xf32>
      %add3A_258 = arith.addf %add3A_250, %get3A_257 : vector<16xf32>
      %mul3A_259 = arith.constant 200 : i32
      %mul3A_260 = arith.muli %scan3A_84, %mul3A_259 : i32
      %add3A_261 = arith.constant 128 : i32
      %add3A_262 = arith.addi %mul3A_260, %add3A_261 : i32
      %get3A_263 = arith.index_cast %add3A_262 : i32 to index
      %get3A_264 = tpu.vector_load %arg7[%get3A_263] {strides = array<i32>} : memref<25600xf32, #tpu.memory_space<vmem>>, vector<16xf32>,
      %get3A_265 = vector.shape_cast %get3A_264 : vector<16xf32> to vector<16xf32>
      %add3A_266 = arith.addf %add3A_258, %get3A_265 : vector<16xf32>
      %mul3A_267 = arith.constant 200 : i32
      %mul3A_268 = arith.muli %scan3A_84, %mul3A_267 : i32
      %add3A_269 = arith.constant 144 : i32
      %add3A_270 = arith.addi %mul3A_268, %add3A_269 : i32
      %get3A_271 = arith.index_cast %add3A_270 : i32 to index
      %get3A_272 = tpu.vector_load %arg7[%get3A_271] {strides = array<i32>} : memref<25600xf32, #tpu.memory_space<vmem>>, vector<16xf32>,
      %get3A_273 = vector.shape_cast %get3A_272 : vector<16xf32> to vector<16xf32>
      %add3A_274 = arith.addf %add3A_266, %get3A_273 : vector<16xf32>
      %mul3A_275 = arith.constant 200 : i32
      %mul3A_276 = arith.muli %scan3A_84, %mul3A_275 : i32
      %add3A_277 = arith.constant 160 : i32
      %add3A_278 = arith.addi %mul3A_276, %add3A_277 : i32
      %get3A_279 = arith.index_cast %add3A_278 : i32 to index
      %get3A_280 = tpu.vector_load %arg7[%get3A_279] {strides = array<i32>} : memref<25600xf32, #tpu.memory_space<vmem>>, vector<16xf32>,
      %get3A_281 = vector.shape_cast %get3A_280 : vector<16xf32> to vector<16xf32>
      %add3A_282 = arith.addf %add3A_274, %get3A_281 : vector<16xf32>
      %mul3A_283 = arith.constant 200 : i32
      %mul3A_284 = arith.muli %scan3A_84, %mul3A_283 : i32
      %add3A_285 = arith.constant 176 : i32
      %add3A_286 = arith.addi %mul3A_284, %add3A_285 : i32
      %get3A_287 = arith.index_cast %add3A_286 : i32 to index
      %get3A_288 = tpu.vector_load %arg7[%get3A_287] {strides = array<i32>} : memref<25600xf32, #tpu.memory_space<vmem>>, vector<16xf32>,
      %get3A_289 = vector.shape_cast %get3A_288 : vector<16xf32> to vector<16xf32>
      %add3A_290 = arith.addf %add3A_282, %get3A_289 : vector<16xf32>
      %mul3A_291 = arith.constant 200 : i32
      %mul3A_292 = arith.muli %scan3A_84, %mul3A_291 : i32
      %add3A_293 = arith.constant 200 : i32
      %add3A_294 = arith.addi %mul3A_292, %add3A_293 : i32
      %sub3A_295 = arith.constant 16 : i32
      %sub3A_296 = arith.subi %add3A_294, %sub3A_295 : i32
      %get3A_297 = arith.index_cast %sub3A_296 : i32 to index
      %get3A_298 = tpu.vector_load %arg7[%get3A_297] {strides = array<i32>} : memref<25600xf32, #tpu.memory_space<vmem>>, vector<16xf32>,
      %get3A_299 = vector.shape_cast %get3A_298 : vector<16xf32> to vector<16xf32>
      %jit3A_300 = arith.constant 0.000000e+00 : f32
      %broadcast_in_dim3A_301 = vector.broadcast %jit3A_300 : f32 to vector<16xf32>
      %select_n3A_302 = arith.select %ge3A_75, %get3A_299, %broadcast_in_dim3A_301 : vector<16xi1>, vector<16xf32>
      %add3A_303 = arith.addf %add3A_290, %select_n3A_302 : vector<16xf32>
      %swap3A_304 = arith.index_cast %scan3A_84 : i32 to index
      %swap3A_305 = arith.constant 16 : index
      %swap3A_306 = tpu.vector_load %arg8[%swap3A_304, %swap3A_305] {strides = array<i32>} : memref<128x32xf32, #tpu.memory_space<vmem>>, vector<1x16xf32>,
      %swap3A_307 = vector.shape_cast %swap3A_306 : vector<1x16xf32> to vector<16xf32>
      %swap3A_308 = vector.shape_cast %add3A_303 : vector<16xf32> to vector<1x16xf32>
      tpu.vector_store %arg8[%swap3A_304, %swap3A_305], %swap3A_308 {strides = array<i32>} : memref<128x32xf32, #tpu.memory_space<vmem>>, vector<1x16xf32>,
      %scan3A_309 = arith.constant 0 : i32
      scf.yield %scan3A_309 : i32
    }
    %scan3A_83 = arith.constant 128 : i32
    "tpu.region"() ({
      %run_scoped3A = tpu.sem_alloc : memref<!tpu.dma_semaphore, #tpu.memory_space<semaphore_mem>>
      %dma_start3A = arith.constant 0 : i32
      %dma_start3A_84 = tpu.memref_slice %arg4[%mul3A_2, %dma_start3A] : memref<4096x32xf32, #tpu.memory_space<hbm>> -> memref<128x32xf32, #tpu.memory_space<hbm>>
      %dma_start3A_85 = arith.constant 0 : i32
      %dma_start3A_86 = tpu.memref_slice %arg4[%mul3A_2, %dma_start3A_85] : memref<4096x32xf32, #tpu.memory_space<hbm>> -> memref<128x32xf32, #tpu.memory_space<hbm>>
      tpu.enqueue_dma source(%arg8 : memref<128x32xf32, #tpu.memory_space<vmem>>) target(%dma_start3A_86 : memref<128x32xf32, #tpu.memory_space<hbm>>) target_semaphore(%run_scoped3A : memref<!tpu.dma_semaphore, #tpu.memory_space<semaphore_mem>>)
      %dma_wait3A_87 = arith.constant 0 : i32
      %dma_wait3A_88 = tpu.memref_slice %arg4[%mul3A_2, %dma_wait3A_87] : memref<4096x32xf32, #tpu.memory_space<hbm>> -> memref<128x32xf32, #tpu.memory_space<hbm>>
      %dma_wait3A_89 = arith.constant 0 : i32
      %dma_wait3A_90 = tpu.memref_slice %arg4[%mul3A_2, %dma_wait3A_89] : memref<4096x32xf32, #tpu.memory_space<hbm>> -> memref<128x32xf32, #tpu.memory_space<hbm>>
      tpu.wait_dma2 semaphore(%run_scoped3A : memref<!tpu.dma_semaphore, #tpu.memory_space<semaphore_mem>>) src(%arg8 : memref<128x32xf32, #tpu.memory_space<vmem>>) dst(%dma_wait3A_90 : memref<128x32xf32, #tpu.memory_space<hbm>>)
      tpu.yield
    }) : () -> ()
    return
  }
}

module attributes {stable_mosaic.version = 14 : i64} {
  func.func @_finish_body(%arg0: memref<4096x32xf32, #tpu.memory_space<vmem>>, %arg1: memref<1x2xf32, #tpu.memory_space<vmem>>, %arg2: memref<4096x2xf32, #tpu.memory_space<vmem>>) attributes {dimension_semantics = [], scalar_prefetch = 0 : i64, scratch_operands = 0 : i64, tpu.core_type = #tpu.core_type<tc>} {
    %get3A = arith.constant 0 : index
    %get3A_0 = arith.constant 0 : index
    %get3A_1 = vector.load %arg0[%get3A, %get3A_0] : memref<4096x32xf32, #tpu.memory_space<vmem>>, vector<4096x32xf32>
    %slice3A = vector.extract_strided_slice %get3A_1 {offsets = [0, 0], sizes = [4096, 16], strides = [1, 1]} : vector<4096x32xf32> to vector<4096x16xf32>
    %reduce_sum3A = arith.constant dense<0.000000e+00> : vector<4096xf32>
    %reduce_sum3A_2 = vector.multi_reduction <add>, %slice3A, %reduce_sum3A [1] : vector<4096x16xf32> to vector<4096xf32>
    %broadcast_in_dim3A = vector.shape_cast %reduce_sum3A_2 : vector<4096xf32> to vector<4096x1xf32>
    %slice3A_3 = vector.extract_strided_slice %get3A_1 {offsets = [0, 16], sizes = [4096, 16], strides = [1, 1]} : vector<4096x32xf32> to vector<4096x16xf32>
    %reduce_sum3A_4 = arith.constant dense<0.000000e+00> : vector<4096xf32>
    %reduce_sum3A_5 = vector.multi_reduction <add>, %slice3A_3, %reduce_sum3A_4 [1] : vector<4096x16xf32> to vector<4096xf32>
    %broadcast_in_dim3A_6 = vector.shape_cast %reduce_sum3A_5 : vector<4096xf32> to vector<4096x1xf32>
    %concatenate3A = tpu.concatenate %broadcast_in_dim3A, %broadcast_in_dim3A_6 in 1 : vector<4096x1xf32>, vector<4096x1xf32> -> vector<4096x2xf32>
    %mul3A = arith.constant 5.000000e-03 : f32
    %mul3A_7 = vector.broadcast %mul3A : f32 to vector<4096x2xf32>
    %mul3A_8 = arith.mulf %concatenate3A, %mul3A_7 : vector<4096x2xf32>
    %get3A_9 = arith.constant 0 : index
    %get3A_10 = arith.constant 0 : index
    %get3A_11 = vector.load %arg1[%get3A_9, %get3A_10] : memref<1x2xf32, #tpu.memory_space<vmem>>, vector<1x2xf32>
    %add3A = vector.broadcast %get3A_11 : vector<1x2xf32> to vector<4096x2xf32>
    %add3A_12 = arith.addf %mul3A_8, %add3A : vector<4096x2xf32>
    %swap3A = arith.constant 0 : index
    %swap3A_13 = arith.constant 0 : index
    %swap3A_14 = vector.load %arg2[%swap3A, %swap3A_13] : memref<4096x2xf32, #tpu.memory_space<vmem>>, vector<4096x2xf32>
    tpu.vector_store %arg2[%swap3A, %swap3A_13], %add3A_12 {strides = array<i32>} : memref<4096x2xf32, #tpu.memory_space<vmem>>, vector<4096x2xf32>,
    return
  }
}

</mosaic_0001>

<sc_bundles>
// kernel: kernel.4.cloned.1.call-start
scs
__scs_entry_jumppad:
0x0: {  	(pc) =	sbr.rel $0x88, $3  }
0x1: {  	(tag) =	ssettag $0x0;
	lr =	simm.s32 $0x1  }
0x2: {  	[smem:$0x3F9D] =	sst lr;
	_ =	strace $0xD0000000  }
0x3: {  	_ = 	snop  }
0x4: {  	_ = 	snop  }
0x5: {  	_ = 	snop  }
0x6: {  	_ = 	snop  }
0x7: {  	_ = 	snop  }
__scs_overlays_trampoline_lowered:
0x8: {  	[smem:$0x3FAC] =	sst s0  }
0x9: {  	[smem:$0x3FAD] =	sst s1  }
0xa: {  	[smem:$0x3FAE] =	sst s2  }
0xb: {  	[smem:$0x3FAF] =	sst s3  }
0xc: {  	[smem:$0x3FB0] =	sst s4  }
0xd: {  	[smem:$0x3FB1] =	sst s5  }
0xe: {  	[smem:$0x3FB2] =	sst s6  }
0xf: {  	[smem:$0x3FB3] =	sst s7  }
0x10: {  	[smem:$0x3FB4] =	sst s8  }
0x11: {  	[smem:$0x3FB5] =	sst s9;
	s0 =	simm.s32 @!p0 $0x0  }
0x12: {  	s1 =	sld [smem:$0x3F9B];
	s0 =	simm.s32 @p0 $0x1  }
0x13: {  	[smem:$0x3FB6] =	sst s0;
	s0 =	simm.s32 @!p1 $0x0  }
0x14: {  	s2 =	sld [smem:$0x3F9A];
	s0 =	simm.s32 @p1 $0x1  }
0x15: {  	[smem:$0x3FB7] =	sst s0;
	s0 =	simm.s32 @!p2 $0x0  }
0x16: {  	s3 =	sld [smem:$0x3FDB];
	s0 =	simm.s32 @p2 $0x1  }
0x17: {  	s4 =	simm.s32 $0x1BF5;
	[smem:$0x3FB9] =	sst s0  }
0x18: {  	s0 =	sld [smem:$0x3F9C];
	_ =	swait.ge [sflag:s4], $0x0  }
0x19: {  	s7 =	sld [smem:$0x3F9D]  }
0x1a: {  	s8 =	sadd.s32 $0xFFFFE003, lr  }
0x1b: {  	s9 =	sadd.s32 $0xFFFFFEF7, lr;
	s5 =	simm.s32 $0xFFFFFFFF;
	p2 =	slt.u32 s8, $0xFFFFF086  }
0x1c: {  	p1 =	slt.u32 s9, $0xF7A;
	s5 =	simm.s32 @!p2 $0x0  }
0x1d: {  	s5 =	simm.s32 @p1 $0x1;
	p0 =	seq.s32 s7, s2  }
0x1e: {  	s7 =	smul.u32 @!p0 $0xF7A, s2;
	p2 =	seq.s32 @!p0 s5, $0x0  }
0x1f: {  	s9 =	smul.u32 $0xF7A, s1;
	s8 =	simm.s32 @!p0 $0x1BF5;
	p2 =	por !p2, p0  }
0x20: {  	[sflag:s8] =	ssyncset.s32 @!p0 $0xFFFFF086;
	s6 =	sadd.s32 @!p0 s3, s7;
	s7 =	simm.s32 @!p0 $0x108  }
0x21: {  	s3 =	sadd.s32 s3, s9;
	s6 =	sadd.s32 @!p0 $0x88, s6;
	s7 =	simm.s32 @p2 $0x1082  }
0x22: {  	[simem:s7], [sflag:s8] =	dma.local @!p0 [hbm:s6], $0xF7A  }
0x23: {  	s9 =	sor.u32 $0xD0000000, s2;
	s6 =	simm.s32 $0x108;
	_ =	swait.ge @!p0 [sflag:s8], $0x0  }
0x24: {  	s3 =	sadd.s32 $0x88, s3;
	s6 =	simm.s32 @!p1 $0x1082;
	[sflag:s4] =	ssyncset.s32 $0xFFFFF086  }
0x25: {  	[simem:s6], [sflag:s4] =	dma.local [hbm:s3], $0xF7A  }
0x26: {  	[smem:$0x3F9D] =	sst s1;
	(tag) =	ssettag s2;
	_ =	strace s9  }
0x27: {  	s1 =	sld [smem:$0x3FAD]  }
0x28: {  	s2 =	sld [smem:$0x3FAE]  }
0x29: {  	s4 =	sld [smem:$0x3FB0]  }
0x2a: {  	p0 =	seq.s32 s5, $0x0;
	s5 =	sld [smem:$0x3FB1]  }
0x2b: {  	s6 =	sld [smem:$0x3FB2]  }
0x2c: {  	s7 =	sld [smem:$0x3FB3]  }
0x2d: {  	s3 =	simm.s32 $0x108;
	s8 =	sld [smem:$0x3FB4]  }
0x2e: {  	s3 =	simm.s32 @!p0 $0x1082;
	s9 =	sld [smem:$0x3FB5]  }
0x2f: {  	lr =	sadd.s32 s0, s3;
	s0 =	sld [smem:$0x3FAC]  }
0x30: {  	s3 =	sld [smem:$0x3FAF]  }
0x31: {  	[smem:$0x3FB8] =	sst s10  }
0x32: {  	s10 =	sld [smem:$0x3FB6];
	_ =	sdelay $0x3  }
0x33: {  	p0 =	seq.s32 s10, $0x1;
	s10 =	sld [smem:$0x3FB8];
	_ =	sdelay $0x3  }
0x34: {  	[smem:$0x3FB8] =	sst s10  }
0x35: {  	s10 =	sld [smem:$0x3FB7];
	_ =	sdelay $0x3  }
0x36: {  	p1 =	seq.s32 s10, $0x1;
	s10 =	sld [smem:$0x3FB8];
	_ =	sdelay $0x3  }
0x37: {  	[smem:$0x3FB8] =	sst s10  }
0x38: {  	s10 =	sld [smem:$0x3FB9]  }
0x39: {  	_ = 	snop;
	(pc) =	sbr.ind lr, $3  }
0x3a: {  	_ = 	snop  }
0x3b: {  	_ = 	snop  }
0x3c: {  	p2 =	seq.s32 s10, $0x1;
	s10 =	sld [smem:$0x3FB8]  }
0x3d: {  	_ =	shalt  }
0x3e: {  	_ =	shalt  }
0x3f: {  	_ =	shalt  }
0x40: {  	_ =	shalt  }
0x41: {  	_ =	shalt  }
0x42: {  	_ =	shalt  }
0x43: {  	_ =	shalt  }
0x44: {  	_ =	shalt  }
0x45: {  	_ =	shalt  }
0x46: {  	_ =	shalt  }
0x47: {  	_ =	shalt  }
0x48: {  	_ =	shalt  }
0x49: {  	_ =	shalt  }
0x4a: {  	_ =	shalt  }
0x4b: {  	_ =	shalt  }
0x4c: {  	_ =	shalt  }
0x4d: {  	_ =	shalt  }
0x4e: {  	_ =	shalt  }
0x4f: {  	_ =	shalt  }
0x50: {  	_ =	shalt  }
0x51: {  	_ =	shalt  }
0x52: {  	_ =	shalt  }
0x53: {  	_ =	shalt  }
0x54: {  	_ =	shalt  }
0x55: {  	_ =	shalt  }
0x56: {  	_ =	shalt  }
0x57: {  	_ =	shalt  }
0x58: {  	_ =	shalt  }
0x59: {  	_ =	shalt  }
0x5a: {  	_ =	shalt  }
0x5b: {  	_ =	shalt  }
0x5c: {  	_ =	shalt  }
0x5d: {  	_ =	shalt  }
0x5e: {  	_ =	shalt  }
0x5f: {  	_ =	shalt  }
0x60: {  	_ =	shalt  }
0x61: {  	_ =	shalt  }
0x62: {  	_ =	shalt  }
0x63: {  	_ =	shalt  }
0x64: {  	_ =	shalt  }
0x65: {  	_ =	shalt  }
0x66: {  	_ =	shalt  }
0x67: {  	_ =	shalt  }
0x68: {  	_ =	shalt  }
0x69: {  	_ =	shalt  }
0x6a: {  	_ =	shalt  }
0x6b: {  	_ =	shalt  }
0x6c: {  	_ =	shalt  }
0x6d: {  	_ =	shalt  }
0x6e: {  	_ =	shalt  }
0x6f: {  	_ =	shalt  }
0x70: {  	_ =	shalt  }
0x71: {  	_ =	shalt  }
0x72: {  	_ =	shalt  }
0x73: {  	_ =	shalt  }
0x74: {  	_ =	shalt  }
0x75: {  	_ =	shalt  }
0x76: {  	_ =	shalt  }
0x77: {  	_ =	shalt  }
0x78: {  	_ =	shalt  }
0x79: {  	_ =	shalt  }
0x7a: {  	_ =	shalt  }
0x7b: {  	_ =	shalt  }
0x7c: {  	_ =	shalt  }
0x7d: {  	_ =	shalt  }
0x7e: {  	_ =	shalt  }
0x7f: {  	_ =	shalt  }
0x80: {  	_ =	shalt  }
0x81: {  	_ =	shalt  }
0x82: {  	_ =	shalt  }
0x83: {  	_ =	shalt  }
0x84: {  	_ =	shalt  }
0x85: {  	_ =	shalt  }
0x86: {  	_ =	shalt  }
0x87: {  	_ =	shalt  }
.Lfunc_end0:
.L_simem_size_0:
called_computation_lowered:
.L_overlay_start_0:
0x88: {  	s2 =	sld [smem:$0x3FD9]  }
0x89: {  	s3 =	sld [smem:$0x3FFE];
	_ =	sdelay $0x1  }
0x8a: {  	s1 =	srdreg.scid  }
0x8b: {  	s0 =	sand.u32 $0x1, s1  }
0x8c: {  	s16 =	sshll.u32 s0, $0xA;
	s2 =	sadd.s32 s3, s2  }
0x8d: {  	s2 =	sadd.s32 s2, s16  }
0x8e: {  	[smem:$0x3FC4] =	sst s2  }
0x8f: {  	_ = 	snop  }
0x90: {  	(tm) =	ssettm $0x1  }
0x91: {  	s17 =	sld [smem:$0x3FFB];
	_ =	sdelay $0x3  }
0x92: {  	_ =	strace s17  }
0x93: {  	s2 =	sld [smem:$0x3FFC];
	_ =	sdelay $0x3  }
0x94: {  	_ =	strace s2  }
0x95: {  	s2 =	sld [smem:$0x3FFD];
	_ =	sdelay $0x3  }
0x96: {  	_ =	strace s2  }
0x97: {  	_ =	strace $0x8FFFFFFF  }
0x98: {  	s18 =	sld [smem:$0x3FDB];
	_ =	sdelay $0x1  }
0x99: {  	s19 =	simm.s32 $_scs_section_size  }
0x9a: {  	s4 =	simm.s32 $_size__tile_overlayer_lowered;
	s5 =	simm.s32 $_tile_overlayer_lowered  }
0x9b: {  	s22 =	simm.s32 $0x1BFF;
	s21 =	sshll.u32 s5, $0x1;
	s2 =	sadd.s32 s19, s18  }
0x9c: {  	s6 =	simm.s32 $0x0;
	s20 =	sshll.u32 s4, $0x1;
	s4 =	sadd.s32 s21, s2  }
0x9d: {  	[timem:s6], [sflag:s22] =	dma.local [hbm:s4], s20  }
0x9e: {  	_ =	swait.ge [sflag:s22], s20  }
0x9f: {  	s3 =	ssub.s32 $0x0, s20;
	[sflag:s22] =	ssyncset.done $0x0  }
0xa0: {  	[sflag:s22] =	ssyncadd.s32 s3;
	_ =	sdelay $0x1  }
0xa1: {  	s23 =	simm.s32 $0x1B8B  }
0xa2: {  	_ =	swait.ge [sflag:s23], $0x1  }
0xa3: {  	[sflag:s23] =	ssyncset.done $0x0  }
0xa4: {  	s25 =	simm.s32 $0x1B8E;
	s24 =	sld [smem:$0x3FFE];
	[sflag:s23] =	ssyncadd.s32 $0xFFFFFFFF  }
0xa5: {  	s26 =	simm.s32 $execute0_lowered;
	[smem:$0x3FD2] =	sst s25  }
0xa6: {  	s4 =	sshll.u32 s26, $0x1;
	_ =	strace $0x80000046;
	[dreg:$0x1] =	wrdreg $0xFFFFFFFF  }
0xa7: {  	s28 =	simm.s32 $_size_execute0_lowered;
	s2 =	sadd.s32 s2, s4;
	[dreg:$0x0] =	wrdreg $0x0  }
0xa8: {  	s4 =	sshll.u32 s28, $0x1;
	[dreg:$0x2] =	wrdreg s2  }
0xa9: {  	[dreg:$0x3] =	wrdreg s4  }
0xaa: {  	[dreg:$0x4] =	wrdreg $0xC0  }
0xab: {  	_ =	task [dreg:s6], $0x5FFFF  }
0xac: {  	[dreg:$0x1] =	wrdreg $0xFFFFFFFF  }
0xad: {  	[dreg:$0x0] =	wrdreg $0x60  }
0xae: {  	[dreg:$0x2] =	wrdreg s24  }
0xaf: {  	[dreg:$0x3] =	wrdreg $0x9  }
0xb0: {  	_ =	task.clear_ibuf [dreg:s6], $0x4FFFF;
	_ =	strace $0x90000046  }
0xb1: {  	s29 =	simm.s32 $0x9;
	_ =	strace $0x80000048  }
0xb2: {  	_ =	swait.ge [sflag:s29], $0x1  }
0xb3: {  	[sflag:s29] =	ssyncadd.s32 $0xFFFFFFFF  }
0xb4: {  	_ =	strace $0x90000048  }
0xb5: {  	_ =	sfence  }
0xb6: {  	s30 =	sld [smem:$0x0];
	_ =	sdelay $0x2  }
0xb7: {  	s31 =	sshll.u32 s1, $0xD;
	s1 =	sshrl.u32 s1, $0x2  }
0xb8: {  	s3 =	sand.u32 $0x4000, s31;
	s1 =	sadd.s32 s1, s30  }
0xb9: {  	s0 =	sor.u32 s3, s0;
	s1 =	sshll.u32 s1, $0x11  }
0xba: {  	s0 =	sor.u32 s1, s0  }
0xbb: {  	s0 =	sadd.s32 $0x8F2B, s0  }
0xbc: {  	[sflag:s0] =	ssyncadd.remote.s32 $0x1  }
0xbd: {  	_ =	sfence.sel $0xFFFF  }
0xbe: {  	[dreg:$0x0] =	wrdreg $0xFFFFFFFF;
	(pc) =	sbr.abs _section_cstart, $3  }
0xbf: {  	[dreg:$0x1] =	wrdreg $0xFFFFFFFF  }
0xc0: {  	_ =	task.clear_ibuf [dreg:s6], $0x2FFFF;
	_ =	strace $0x9FFFFFFF  }
0xc1: {  	(tm) =	ssettm $0x7FFFFFFF  }
tec
execute0_lowered:
.L_overlay_start_1:
0x0: {  	(tag) =	ssettag $0x1  }
0x1: {  	s1 =	srdreg.scid  }
0x2: {  	s0 =	stileid.u32;
	s5 =	rddreg [dreg:$0x0];
	s2 =	simm.s32 $0x0  }
0x3: {  	s10 =	simm.s32 $0x6400;
	s11 =	simm.s32 $0xC800;
	s12 =	simm.s32 $0x6900  }
0x4: {  	s13 =	simm.s32 $0xCD00;
	s14 =	simm.s32 $0xA00;
	s15 =	simm.s32 $0x6E00  }
0x5: {  	s16 =	simm.s32 $0xD200;
	s17 =	simm.s32 $0xF00;
	s18 =	simm.s32 $0x7300  }
0x6: {  	s19 =	simm.s32 $0xD700;
	s20 =	simm.s32 $0x1;
	s21 =	simm.s32 $0x12C00  }
0x7: {  	s3 =	sand.u32 $0x1, s1;
	s31 =	sshll.u32 s0, $0x1;
	s1 =	rddreg [dreg:$0x1]  }
0x8: {  	s22 =	simm.s32 $0x0;
	[smem:$0x7FF] =	sst s2;
	s4 =	sor.u32 s3, s31  }
0x9: {  	_ =	strace $0x80000047;
	s7 =	ssub.s32 $0x2, s3;
	s3 =	sadd.s32 $0xA00, s5  }
0xa: {  	s6 =	smul.u32 $0xC80, s4;
	s4 =	sshll.u32 s4, $0x9;
	s8 =	sshrl.u32 s7, $0x1  }
0xb: {  	s9 =	sadd.s32 s4, s5;
	s7 =	ssub.s32 s7, s8;
	s8 =	simm.s32 $0x2  }
0xc: {  	s6 =	sadd.s32 s6, s5;
	s5 =	sadd.s32 $0x1F248, s5;
	s7 =	smax.u32 s7, $0x1  }
0xd: {  	vm0 =	vmmov $0xff;
	s4 =	sadd.s32 $0x3DC00, s6;
	s6 =	sadd.s32 $0x56C00, s9;
	s9 =	simm.s32 $0x500  }
.LBB2_1:
0xe: {  	[tilespmem:s2], [sflag:$0x2] =	stream.linear.gather [hbm4b:s4+s2], $0x6400, $0x38;
	[tilespmem:$0x13C00] =	vst v63  }
0xf: {  	_ =	swait.ge [sflag:s8], $0x6400  }
0x10: {  	[sflag:s8] =	ssyncset.done $0x0  }
0x11: {  	[sflag:s8] =	ssyncadd.s32 $0xFFFF9C00  }
0x12: {  	[tilespmem:s10], [sflag:$0x1] =	stream.indirect.gather [hbm4b:s3+s9], $0x1, s2, s9, $0xb8;
	[tilespmem:$0x13C00] =	vst v63  }
0x13: {  	_ = 	snop  }
0x14: {  	[tilespmem:s11], [sflag:$0x1] =	stream.indirect.gather [hbm4b:s5+s9], $0x1, s2, s9, $0xb8;
	[tilespmem:$0x13C00] =	vst v63  }
0x15: {  	_ = 	snop  }
0x16: {  	[tilespmem:s12], [sflag:$0x1] =	stream.indirect.gather [hbm4b:s3+s9], $0x1, s9, s9, $0xb8;
	[tilespmem:$0x13C00] =	vst v63  }
0x17: {  	_ = 	snop  }
0x18: {  	[tilespmem:s13], [sflag:$0x1] =	stream.indirect.gather [hbm4b:s5+s9], $0x1, s9, s9, $0xb8;
	[tilespmem:$0x13C00] =	vst v63  }
0x19: {  	_ = 	snop  }
0x1a: {  	[tilespmem:s15], [sflag:$0x1] =	stream.indirect.gather [hbm4b:s3+s9], $0x1, s14, s9, $0xb8;
	[tilespmem:$0x13C00] =	vst v63  }
0x1b: {  	_ = 	snop  }
0x1c: {  	[tilespmem:s16], [sflag:$0x1] =	stream.indirect.gather [hbm4b:s5+s9], $0x1, s14, s9, $0xb8;
	[tilespmem:$0x13C00] =	vst v63  }
0x1d: {  	_ = 	snop  }
0x1e: {  	[tilespmem:s18], [sflag:$0x1] =	stream.indirect.gather [hbm4b:s3+s9], $0x1, s17, s9, $0xb8;
	[tilespmem:$0x13C00] =	vst v63  }
0x1f: {  	_ = 	snop  }
0x20: {  	[tilespmem:s19], [sflag:$0x1] =	stream.indirect.gather [hbm4b:s5+s9], $0x1, s17, s9, $0xb8;
	[tilespmem:$0x13C00] =	vst v63  }
0x21: {  	s23 =	simm.s32 $0x1400;
	s24 =	simm.s32 $0x7800  }
0x22: {  	[tilespmem:s24], [sflag:$0x1] =	stream.indirect.gather [hbm4b:s3+s9], $0x1, s23, s9, $0xb8;
	[tilespmem:$0x13C00] =	vst v63  }
0x23: {  	s31 =	simm.s32 $0xDC00  }
0x24: {  	[tilespmem:s31], [sflag:$0x1] =	stream.indirect.gather [hbm4b:s5+s9], $0x1, s23, s9, $0xb8;
	[tilespmem:$0x13C00] =	vst v63  }
0x25: {  	_ =	swait.ge [sflag:s20], $0x500  }
0x26: {  	[sflag:s20] =	ssyncset.done $0x0  }
0x27: {  	[sflag:s20] =	ssyncadd.s32 $0xFFFFFB00  }
0x28: {  	_ =	swait.ge [sflag:s20], $0x500  }
0x29: {  	s24 =	simm.s32 $0x7800;
	s23 =	simm.s32 $0x1900;
	[sflag:s20] =	ssyncset.done $0x0  }
.LBB2_2:
0x2a: {  	s25 =	sadd.s32 $0x6400, s23  }
0x2b: {  	[sflag:s20] =	ssyncadd.s32 $0xFFFFFB00;
	s26 =	smov.u32 s24;
	s28 =	sadd.s32 $0x1400, s24  }
0x2c: {  	[tilespmem:s25], [sflag:$0x1] =	stream.indirect.gather [hbm4b:s3+s9], $0x1, s23, s9, $0xb8;
	[tilespmem:$0x13C00] =	vst v63  }
0x2d: {  	p0 =	sne.s32 s24, $0x17C00;
	s24 =	sadd.s32 $0xC800, s23  }
0x2e: {  	[tilespmem:s24], [sflag:$0x1] =	stream.indirect.gather [hbm4b:s5+s9], $0x1, s23, s9, $0xb8;
	[tilespmem:$0x13C00] =	vst v63  }
.Ltmp0:
0x2f: {  	_ =	swait.ge [sflag:s20], $0x500;
	(pc) =	sbr.rel @p0 .LBB2_2-.Ltmp0, $4  }
0x30: {  	[sflag:s20] =	ssyncset.done $0x0  }
0x31: {  	[sflag:s20] =	ssyncadd.s32 $0xFFFFFB00  }
0x32: {  	_ =	swait.ge [sflag:s20], $0x500  }
0x33: {  	s23 =	sshra.s32 s26, $0x2;
	s24 =	smov.u32 s28;
	[sflag:s20] =	ssyncset.done $0x0  }
0x34: {  	s24 =	sadd.s32 $0x6400, s23;
	[sflag:s20] =	ssyncadd.s32 $0xFFFFFB00  }
0x35: {  	[tilespmem:s24], [sflag:$0x1] =	stream.indirect.gather [hbm4b:s3+s9], $0x1, s23, s9, $0xb8;
	[tilespmem:$0x13C00] =	vst v63  }
0x36: {  	s30 =	sadd.s32 $0xC800, s23  }
0x37: {  	[tilespmem:s30], [sflag:$0x1] =	stream.indirect.gather [hbm4b:s5+s9], $0x1, s23, s9, $0xb8;
	[tilespmem:$0x13C00] =	vst v63  }
0x38: {  	_ =	swait.ge [sflag:s20], $0x500  }
0x39: {  	[sflag:s20] =	ssyncset.done $0x0  }
0x3a: {  	[sflag:s20] =	ssyncadd.s32 $0xFFFFFB00  }
0x3b: {  	_ =	swait.ge [sflag:s20], $0x500  }
0x3c: {  	[sflag:s20] =	ssyncset.done $0x0  }
0x3d: {  	[sflag:s20] =	ssyncadd.s32 $0xFFFFFB00  }
0x3e: {  	_ =	swait.ge [sflag:s20], $0x500  }
0x3f: {  	[sflag:s20] =	ssyncset.done $0x0  }
0x40: {  	[sflag:s20] =	ssyncadd.s32 $0xFFFFFB00  }
0x41: {  	_ =	swait.ge [sflag:s20], $0x500  }
0x42: {  	[sflag:s20] =	ssyncset.done $0x0  }
0x43: {  	[sflag:s20] =	ssyncadd.s32 $0xFFFFFB00  }
0x44: {  	_ =	swait.ge [sflag:s20], $0x500  }
0x45: {  	[sflag:s20] =	ssyncset.done $0x0  }
0x46: {  	[sflag:s20] =	ssyncadd.s32 $0xFFFFFB00  }
0x47: {  	_ =	swait.ge [sflag:s20], $0x500  }
0x48: {  	[sflag:s20] =	ssyncset.done $0x0  }
0x49: {  	[sflag:s20] =	ssyncadd.s32 $0xFFFFFB00  }
0x4a: {  	_ =	swait.ge [sflag:s20], $0x500  }
0x4b: {  	[sflag:s20] =	ssyncset.done $0x0  }
0x4c: {  	[sflag:s20] =	ssyncadd.s32 $0xFFFFFB00  }
0x4d: {  	_ =	swait.ge [sflag:s20], $0x500  }
0x4e: {  	[sflag:s20] =	ssyncset.done $0x0  }
0x4f: {  	[sflag:s20] =	ssyncadd.s32 $0xFFFFFB00  }
0x50: {  	_ =	swait.ge [sflag:s20], $0x500  }
0x51: {  	[sflag:s20] =	ssyncset.done $0x0  }
0x52: {  	[sflag:s20] =	ssyncadd.s32 $0xFFFFFB00  }
0x53: {  	_ =	swait.ge [sflag:s20], $0x500  }
0x54: {  	[sflag:s20] =	ssyncset.done $0x0  }
0x55: {  	s31 =	simm.s32 $0xB8;
	[sflag:s20] =	ssyncadd.s32 $0xFFFFFB00  }
0x56: {  	v0 =	vld [tilespmem:s31+$0x6348];
	_ =	sdelay $0x1  }
0x57: {  	v1 =	vld [tilespmem:s31+$0x6358];
	_ =	sdelay $0x1  }
0x58: {  	v2 =	vld [tilespmem:s31+$0x6368]  }
0x59: {  	v0 =	vadd.f32 $0.0e+00, v0  }
0x5a: {  	v3 =	vld [tilespmem:s31+$0x6378]  }
0x5b: {  	v0 =	vadd.f32 v1, v0  }
0x5c: {  	v42 =	vld [tilespmem:s31+$0x6388]  }
0x5d: {  	v0 =	vadd.f32 v2, v0  }
0x5e: {  	v43 =	vld [tilespmem:s31+$0x6398]  }
0x5f: {  	v0 =	vadd.f32 v3, v0  }
0x60: {  	v44 =	vld [tilespmem:s31+$0x63A8]  }
0x61: {  	v0 =	vadd.f32 v42, v0  }
0x62: {  	v45 =	vld [tilespmem:s31+$0x63B8]  }
0x63: {  	v0 =	vadd.f32 v43, v0  }
0x64: {  	v46 =	vld [tilespmem:s31+$0x63C8]  }
0x65: {  	v0 =	vadd.f32 v44, v0  }
0x66: {  	v47 =	vld [tilespmem:s31+$0x63D8]  }
0x67: {  	v0 =	vadd.f32 v45, v0  }
0x68: {  	v48 =	vld [tilespmem:s31+$0x63E8]  }
0x69: {  	v0 =	vadd.f32 v46, v0  }
0x6a: {  	v49 =	vld [tilespmem:s31+$0x63F8]  }
0x6b: {  	v4 =	vld [tilespmem:s31+$0x6400];
	v0 =	vadd.f32 v47, v0;
	_ =	sdelay $0x1  }
0x6c: {  	v0 =	vadd.f32 v48, v0;
	_ =	sdelay $0x1  }
0x6d: {  	v0 =	vadd.f32 v49, v0  }
0x6e: {  	v50 =	vsel vm0, $0x0, v4  }
0x6f: {  	v0 =	vadd.f32 v50, v0  }
0x70: {  	s23 =	simm.s32 $0x12C10  }
0x71: {  	[tilespmem:s23+$0xFFFFFFF0] =	vst v0  }
0x72: {  	v0 =	vld [tilespmem:s31+$0xC748];
	_ =	sdelay $0x1  }
0x73: {  	v51 =	vld [tilespmem:s31+$0xC758];
	_ =	sdelay $0x1  }
0x74: {  	v52 =	vld [tilespmem:s31+$0xC768]  }
0x75: {  	v0 =	vadd.f32 $0.0e+00, v0  }
0x76: {  	v53 =	vld [tilespmem:s31+$0xC778]  }
0x77: {  	v0 =	vadd.f32 v51, v0  }
0x78: {  	v54 =	vld [tilespmem:s31+$0xC788]  }
0x79: {  	v0 =	vadd.f32 v52, v0  }
0x7a: {  	v55 =	vld [tilespmem:s31+$0xC798]  }
0x7b: {  	v0 =	vadd.f32 v53, v0  }
0x7c: {  	v56 =	vld [tilespmem:s31+$0xC7A8]  }
0x7d: {  	v0 =	vadd.f32 v54, v0  }
0x7e: {  	v57 =	vld [tilespmem:s31+$0xC7B8]  }
0x7f: {  	v0 =	vadd.f32 v55, v0  }
0x80: {  	v58 =	vld [tilespmem:s31+$0xC7C8]  }
0x81: {  	v0 =	vadd.f32 v56, v0  }
0x82: {  	v59 =	vld [tilespmem:s31+$0xC7D8]  }
0x83: {  	v0 =	vadd.f32 v57, v0  }
0x84: {  	v60 =	vld [tilespmem:s31+$0xC7E8]  }
0x85: {  	v0 =	vadd.f32 v58, v0  }
0x86: {  	v61 =	vld [tilespmem:s31+$0xC7F8]  }
0x87: {  	v62 =	vld [tilespmem:s31+$0xC800];
	v0 =	vadd.f32 v59, v0;
	_ =	sdelay $0x1  }
0x88: {  	v0 =	vadd.f32 v60, v0;
	_ =	sdelay $0x1  }
0x89: {  	v0 =	vadd.f32 v61, v0  }
0x8a: {  	v63 =	vsel vm0, $0x0, v62  }
0x8b: {  	v0 =	vadd.f32 v63, v0;
	_ =	sdelay $0x1  }
0x8c: {  	s25 =	simm.s32 $0x920;
	s24 =	simm.s32 $0x180;
	[tilespmem:s23+$0x0] =	vst v0  }
.LBB2_4:
0x8d: {  	p0 =	sne.s32 s25, $0x18FC0;
	v0 =	vld [tilespmem:s24+$0x6348]  }
0x8e: {  	v1 =	vld [tilespmem:s24+$0x6358]  }
0x8f: {  	v2 =	vld [tilespmem:s24+$0x6368]  }
0x90: {  	v3 =	vld [tilespmem:s24+$0x6378]  }
0x91: {  	v4 =	vld [tilespmem:s24+$0x6388]  }
0x92: {  	v0 =	vadd.f32 $0.0e+00, v0;
	v5 =	vld [tilespmem:s24+$0x6398]  }
0x93: {  	v6 =	vld [tilespmem:s24+$0x63A8]  }
0x94: {  	v0 =	vadd.f32 v1, v0;
	v1 =	vld [tilespmem:s24+$0x63B8]  }
0x95: {  	v7 =	vld [tilespmem:s24+$0x63C8]  }
0x96: {  	v0 =	vadd.f32 v2, v0;
	v2 =	vld [tilespmem:s24+$0x63D8]  }
0x97: {  	v8 =	vld [tilespmem:s24+$0x63E8]  }
0x98: {  	v0 =	vadd.f32 v3, v0;
	v3 =	vld [tilespmem:s24+$0x6400]  }
0x99: {  	v9 =	vld [tilespmem:s24+$0x63F8]  }
0x9a: {  	v0 =	vadd.f32 v4, v0;
	_ =	sdelay $0x1  }
0x9b: {  	v0 =	vadd.f32 v5, v0;
	_ =	sdelay $0x1  }
0x9c: {  	v0 =	vadd.f32 v6, v0;
	_ =	sdelay $0x1  }
0x9d: {  	v0 =	vadd.f32 v1, v0;
	_ =	sdelay $0x1  }
0x9e: {  	v0 =	vadd.f32 v7, v0;
	_ =	sdelay $0x1  }
0x9f: {  	v0 =	vadd.f32 v2, v0;
	_ =	sdelay $0x1  }
0xa0: {  	v0 =	vadd.f32 v8, v0;
	_ =	sdelay $0x1  }
0xa1: {  	v0 =	vadd.f32 v9, v0  }
0xa2: {  	v1 =	vsel vm0, $0x0, v3  }
0xa3: {  	v0 =	vadd.f32 v1, v0  }
0xa4: {  	s23 =	sadd.s32 $0x20, s23  }
0xa5: {  	[tilespmem:s23+$0xFFFFFFF0] =	vst v0  }
0xa6: {  	v0 =	vld [tilespmem:s24+$0xC748]  }
0xa7: {  	v1 =	vld [tilespmem:s24+$0xC758]  }
0xa8: {  	v2 =	vld [tilespmem:s24+$0xC768]  }
0xa9: {  	v3 =	vld [tilespmem:s24+$0xC778]  }
0xaa: {  	v4 =	vld [tilespmem:s24+$0xC788]  }
0xab: {  	v0 =	vadd.f32 $0.0e+00, v0;
	v5 =	vld [tilespmem:s24+$0xC798]  }
0xac: {  	v6 =	vld [tilespmem:s24+$0xC7A8]  }
0xad: {  	v0 =	vadd.f32 v1, v0;
	v1 =	vld [tilespmem:s24+$0xC7B8]  }
0xae: {  	v7 =	vld [tilespmem:s24+$0xC7C8]  }
0xaf: {  	v0 =	vadd.f32 v2, v0;
	v2 =	vld [tilespmem:s24+$0xC7D8]  }
0xb0: {  	v8 =	vld [tilespmem:s24+$0xC7E8]  }
0xb1: {  	v0 =	vadd.f32 v3, v0;
	v3 =	vld [tilespmem:s24+$0xC7F8]  }
0xb2: {  	v9 =	vld [tilespmem:s24+$0xC800]  }
0xb3: {  	v0 =	vadd.f32 v4, v0;
	_ =	sdelay $0x1  }
0xb4: {  	v0 =	vadd.f32 v5, v0;
	_ =	sdelay $0x1  }
0xb5: {  	v0 =	vadd.f32 v6, v0;
	_ =	sdelay $0x1  }
0xb6: {  	v0 =	vadd.f32 v1, v0;
	_ =	sdelay $0x1  }
0xb7: {  	v0 =	vadd.f32 v7, v0;
	_ =	sdelay $0x1  }
0xb8: {  	v0 =	vadd.f32 v2, v0;
	_ =	sdelay $0x1  }
0xb9: {  	v0 =	vadd.f32 v8, v0;
	_ =	sdelay $0x1  }
.Ltmp1:
0xba: {  	v0 =	vadd.f32 v3, v0;
	(pc) =	sbr.rel @p0 .LBB2_4-.Ltmp1, $3  }
0xbb: {  	v1 =	vsel vm0, $0x0, v9  }
0xbc: {  	v0 =	vadd.f32 v1, v0;
	_ =	sdelay $0x1  }
0xbd: {  	s24 =	sshra.s32 s25, $0x2;
	s25 =	sadd.s32 $0x320, s25;
	[tilespmem:s23+$0x0] =	vst v0  }
0xbe: {  	v0 =	vld [tilespmem:s24+$0x6348];
	_ =	sdelay $0x1  }
0xbf: {  	v1 =	vld [tilespmem:s24+$0x6358];
	_ =	sdelay $0x1  }
0xc0: {  	v2 =	vld [tilespmem:s24+$0x6368]  }
0xc1: {  	v0 =	vadd.f32 $0.0e+00, v0  }
0xc2: {  	v3 =	vld [tilespmem:s24+$0x6378]  }
0xc3: {  	v0 =	vadd.f32 v1, v0  }
0xc4: {  	v42 =	vld [tilespmem:s24+$0x6388]  }
0xc5: {  	v0 =	vadd.f32 v2, v0  }
0xc6: {  	v43 =	vld [tilespmem:s24+$0x6398]  }
0xc7: {  	v0 =	vadd.f32 v3, v0  }
0xc8: {  	v44 =	vld [tilespmem:s24+$0x63A8]  }
0xc9: {  	v0 =	vadd.f32 v42, v0  }
0xca: {  	v45 =	vld [tilespmem:s24+$0x63B8]  }
0xcb: {  	v0 =	vadd.f32 v43, v0  }
0xcc: {  	v46 =	vld [tilespmem:s24+$0x63C8]  }
0xcd: {  	v0 =	vadd.f32 v44, v0  }
0xce: {  	v47 =	vld [tilespmem:s24+$0x63D8]  }
0xcf: {  	v0 =	vadd.f32 v45, v0  }
0xd0: {  	v48 =	vld [tilespmem:s24+$0x63E8]  }
0xd1: {  	v0 =	vadd.f32 v46, v0  }
0xd2: {  	v49 =	vld [tilespmem:s24+$0x63F8]  }
0xd3: {  	v4 =	vld [tilespmem:s24+$0x6400];
	v0 =	vadd.f32 v47, v0;
	_ =	sdelay $0x1  }
0xd4: {  	v0 =	vadd.f32 v48, v0;
	_ =	sdelay $0x1  }
0xd5: {  	v0 =	vadd.f32 v49, v0  }
0xd6: {  	v50 =	vsel vm0, $0x0, v4  }
0xd7: {  	v0 =	vadd.f32 v50, v0  }
0xd8: {  	s23 =	sadd.s32 $0x20, s23  }
0xd9: {  	[tilespmem:s23+$0xFFFFFFF0] =	vst v0  }
0xda: {  	v0 =	vld [tilespmem:s24+$0xC748];
	_ =	sdelay $0x1  }
0xdb: {  	v51 =	vld [tilespmem:s24+$0xC758];
	_ =	sdelay $0x1  }
0xdc: {  	v52 =	vld [tilespmem:s24+$0xC768]  }
0xdd: {  	v0 =	vadd.f32 $0.0e+00, v0  }
0xde: {  	v53 =	vld [tilespmem:s24+$0xC778]  }
0xdf: {  	v0 =	vadd.f32 v51, v0  }
0xe0: {  	v54 =	vld [tilespmem:s24+$0xC788]  }
0xe1: {  	v0 =	vadd.f32 v52, v0  }
0xe2: {  	v55 =	vld [tilespmem:s24+$0xC798]  }
0xe3: {  	v0 =	vadd.f32 v53, v0  }
0xe4: {  	v56 =	vld [tilespmem:s24+$0xC7A8]  }
0xe5: {  	v0 =	vadd.f32 v54, v0  }
0xe6: {  	v57 =	vld [tilespmem:s24+$0xC7B8]  }
0xe7: {  	v0 =	vadd.f32 v55, v0  }
0xe8: {  	v58 =	vld [tilespmem:s24+$0xC7C8]  }
0xe9: {  	v0 =	vadd.f32 v56, v0  }
0xea: {  	v59 =	vld [tilespmem:s24+$0xC7D8]  }
0xeb: {  	v0 =	vadd.f32 v57, v0  }
0xec: {  	v60 =	vld [tilespmem:s24+$0xC7E8]  }
0xed: {  	v0 =	vadd.f32 v58, v0  }
0xee: {  	v61 =	vld [tilespmem:s24+$0xC7F8]  }
0xef: {  	v62 =	vld [tilespmem:s24+$0xC800];
	v0 =	vadd.f32 v59, v0;
	_ =	sdelay $0x1  }
0xf0: {  	v0 =	vadd.f32 v60, v0;
	_ =	sdelay $0x1  }
0xf1: {  	v0 =	vadd.f32 v61, v0  }
0xf2: {  	v63 =	vsel vm0, $0x0, v62  }
0xf3: {  	s22 =	sadd.s32 $0x1, s22;
	v0 =	vadd.f32 v63, v0  }
0xf4: {  	p0 =	sne.s32 s22, s7  }
.Ltmp2:
0xf5: {  	[tilespmem:s23+$0x0] =	vst v0;
	(pc) =	sbr.rel @p0 .LBB2_1-.Ltmp2, $4  }
0xf6: {  	[hbm4b:s6+s2] =	stream.linear.scatter [tilespmem:s21], [sflag:$0x2], $0x1000, $0x38;
	[tilespmem:$0x13C00] =	vst v63  }
0xf7: {  	_ =	swait.ge [sflag:s8], $0x1000  }
0xf8: {  	[sflag:s8] =	ssyncset.done $0x0  }
0xf9: {  	[sflag:s8] =	ssyncadd.s32 $0xFFFFF000  }
0xfa: {  	_ =	sfence.sel $0x180000  }
0xfb: {  	[bflag:$0x0] =	sbarrier.arrive $0xFFFF  }
0xfc: {  	p0 =	sne.s32 s0, $0x0;
	_ =	strace $0x90000047  }
0xfd: {  	s0 =	sadd.s32 @!p0 $0x100000, s1;
	[bflag:$0x2] =	sbarrier.arrive $0xFFFF  }
0xfe: {  	[sflag:s0] =	ssyncadd.tile.s32 @!p0 $0x1;
	_ =	shalt  }
.Lfunc_end2:
_tile_overlayer_lowered:
.L_overlay_start_2:
0xff: {  	(tag) =	ssettag $0x2  }
0x100: {  	s0 =	rddreg [dreg:$0x0];
	s2 =	stileid.u32  }
0x101: {  	s1 =	rddreg [dreg:$0x1];
	p0 =	sne.s32 s2, $0x0  }
0x102: {  	s3 =	rddreg [dreg:$0x2];
	[bflag:$0x3] =	sbarrier.arrive $0xFFFF;
	s2 =	simm.s32 @!p0 $0x1C02  }
0x103: {  	[timem:s3], [sflag:s2] =	dma.local @!p0 [hbm:s0], s1  }
0x104: {  	s0 =	simm.s32 @!p0 $0x2  }
0x105: {  	_ =	swait.ge @!p0 [sflag:s0], s1  }
0x106: {  	s1 =	ssub.s32 @!p0 $0x0, s1;
	[sflag:s0] =	ssyncset.done @!p0 $0x0  }
0x107: {  	[sflag:s0] =	ssyncadd.s32 @!p0 s1  }
0x108: {  	[bflag:$0x3] =	sbarrier.arrive $0xFFFF  }
0x109: {  	_ =	shalt  }

</sc_bundles>
